<compile_context>
chip_gen: v7x
topology: tpu7x:2x2x1
jax: 0.10.2.dev20260603
libtpu: 0.0.44.dev20260713+nightly
codegen_flags: <defaults>
</compile_context>

<pallas_src>
import jax
import jax.numpy as jnp
from jax import lax
from jax.experimental import pallas as pl
from jax.experimental.pallas import tpu as pltpu
from jax.experimental.pallas import tpu_sc as plsc

_NUM_CORES = 2
_NUM_SUBCORES = 16
_NUM_WORKERS = _NUM_CORES * _NUM_SUBCORES

_BATCH = 16384
_DIM = 128
_B_PER_W = _BATCH // _NUM_WORKERS


_CHUNK = 128
_NCHUNKS = _B_PER_W // _CHUNK
_NBUF = 4
_HBM_CHUNKS = 1
_TABLE_ROWS = 1000
_STAGE_ROWS = 64


def _gather_body(table_hbm, idx_hbm, out_hbm, table_sh, idx_v, rows_v,
                 gsem0, gsem1, ssem0, ssem1, ssem2, ssem3, stsem):
    sid = lax.axis_index("s")
    wid = sid * _NUM_CORES + lax.axis_index("c")
    base = wid * _B_PER_W
    stage = lax.min(sid * _STAGE_ROWS, _TABLE_ROWS - _STAGE_ROWS)
    idx_cp = pltpu.async_copy(idx_hbm.at[pl.ds(base, _B_PER_W)], idx_v, gsem1)
    stage_cp = pltpu.async_copy(table_hbm.at[pl.ds(stage, _STAGE_ROWS)],
                                table_sh.at[pl.ds(stage, _STAGE_ROWS)], stsem)
    idx_cp.wait()
    if _HBM_CHUNKS == 0:
        stage_cp.wait()
        plsc.subcore_barrier()
    gsems = (gsem0, gsem1)
    ssems = (ssem0, ssem1, ssem2, ssem3)[:_NBUF]
    gathers = [None] * _NCHUNKS
    writes = [None] * _NCHUNKS

    def start_gather(c):
        src = table_hbm if c < _HBM_CHUNKS else table_sh
        gathers[c] = pltpu.async_copy(
            src.at[idx_v.at[pl.ds(c * _CHUNK, _CHUNK)]],
            rows_v.at[c % _NBUF],
            gsems[c % 2],
        )

    def start_write(c):
        writes[c] = pltpu.async_copy(
            rows_v.at[c % _NBUF],
            out_hbm.at[pl.ds(base + c * _CHUNK, _CHUNK)],
            ssems[c % _NBUF],
        )

    start_gather(0)
    for c in range(1, _NCHUNKS):
        if c == _HBM_CHUNKS and _HBM_CHUNKS > 0:
            stage_cp.wait()
            plsc.subcore_barrier()
        if c >= _NBUF:
            writes[c - _NBUF].wait()
        start_gather(c)
        gathers[c - 1].wait()
        start_write(c - 1)
    gathers[_NCHUNKS - 1].wait()
    start_write(_NCHUNKS - 1)
    for c in range(_NCHUNKS - _NBUF, _NCHUNKS):
        writes[c].wait()


@jax.jit
def kernel(t, pos_encoding):
    idx = t.reshape(_BATCH).astype(jnp.int32)
    mesh = plsc.VectorSubcoreMesh(
        core_axis_name="c",
        subcore_axis_name="s",
        num_cores=_NUM_CORES,
        num_subcores=_NUM_SUBCORES,
    )
    gather = pl.kernel(
        _gather_body,
        out_type=jax.ShapeDtypeStruct((_BATCH, _DIM), jnp.float32),
        mesh=mesh,
        scratch_types=[
            pltpu.VMEM_SHARED((_TABLE_ROWS, _DIM), jnp.float32),
            pltpu.VMEM((_B_PER_W,), jnp.int32),
            pltpu.VMEM((_NBUF, _CHUNK, _DIM), jnp.float32),
            pltpu.SemaphoreType.DMA,
            pltpu.SemaphoreType.DMA,
            pltpu.SemaphoreType.DMA,
            pltpu.SemaphoreType.DMA,
            pltpu.SemaphoreType.DMA,
            pltpu.SemaphoreType.DMA,
            pltpu.SemaphoreType.DMA,
        ],
    )
    return gather(pos_encoding, idx)

# --- scband reference (transcript-rebuilt; emitter-appended) ---
"""Pipeline reference for scband-positional-encoding-15994458210420 (READ-ONLY COPY).

The authoritative reference and input builder live on the scoring server;
editing this copy changes nothing except your own understanding.
"""

import jax, jax.numpy as jnp
import numpy as np
import math

MAX_LEN = 1000
EMB_DIM = 128
BATCH = 16384

def _build_pos_encoding():
    pe = np.zeros((MAX_LEN, EMB_DIM), dtype=np.float32)
    position = np.arange(MAX_LEN, dtype=np.float32)[:, None]
    div_term = np.exp(-math.log(10000.0) * np.arange(0, EMB_DIM, 2, dtype=np.float32) / EMB_DIM)
    pe[:, 0::2] = np.sin(position * div_term)
    pe[:, 1::2] = np.cos(position * div_term)
    return jnp.asarray(pe)

def setup_inputs(seed: int = 0) -> dict:
    key = jax.random.key(seed)
    t = jax.random.randint(key, (BATCH, 1), 0, MAX_LEN, dtype=jnp.int64 if jax.config.jax_enable_x64 else jnp.int32)
    pos_encoding = _build_pos_encoding()
    return {"t": t, "pos_encoding": pos_encoding}

def reference(t, pos_encoding):
    # pos_encoding[t] -> [B, 1, D]; squeeze(1) -> [B, D]
    out = jnp.take(pos_encoding, t, axis=0)
    out = jnp.squeeze(out, axis=1)
    # apply_dropout=False -> identity
    return out

if __name__ == "__main__":
    import jax
    _d = setup_inputs()
    print(jax.jit(kernel)(*tuple(_d.values())))

</pallas_src>

<mosaic_0001>
#map = affine_map<(d0, d1) -> (0, 0)>
#map1 = affine_map<(d0, d1) -> (0)>
module attributes {stable_mosaic.version = 14 : i64} {
  func.func @_gather_body(%arg0: i32, %arg1: i32, %arg2: memref<1000x128xf32, #tpu.memory_space<hbm>>, %arg3: memref<16384xi32, #tpu.memory_space<hbm>>, %arg4: memref<16384x128xf32, #tpu.memory_space<hbm>>, %arg5: memref<1000x128xf32, #tpu.memory_space<vmem_shared>>, %arg6: memref<512xi32, #tpu.memory_space<vmem>>, %arg7: memref<4x128x128xf32, #tpu.memory_space<vmem>>, %arg8: memref<!tpu.dma_semaphore, #tpu.memory_space<semaphore_mem>>, %arg9: memref<!tpu.dma_semaphore, #tpu.memory_space<semaphore_mem>>, %arg10: memref<!tpu.dma_semaphore, #tpu.memory_space<semaphore_mem>>, %arg11: memref<!tpu.dma_semaphore, #tpu.memory_space<semaphore_mem>>, %arg12: memref<!tpu.dma_semaphore, #tpu.memory_space<semaphore_mem>>, %arg13: memref<!tpu.dma_semaphore, #tpu.memory_space<semaphore_mem>>, %arg14: memref<!tpu.dma_semaphore, #tpu.memory_space<semaphore_mem>>) attributes {dimension_semantics = [#tpu.dimension_semantics<core_parallel>, #tpu.dimension_semantics<subcore_parallel>], iteration_bounds = array<i64: 2, 16>, scalar_prefetch = 0 : i64, scratch_operands = 10 : i64, tpu.core_type = #tpu.core_type<sc_vector_subcore>, window_params = [{transform_indices = #map}, {transform_indices = #map1}, {transform_indices = #map}]} {
    %mul3A = arith.constant 2 : i32
    %mul3A_0 = arith.muli %arg1, %mul3A : i32
    %add3A = arith.addi %mul3A_0, %arg0 : i32
    %mul3A_1 = arith.constant 512 : i32
    %mul3A_2 = arith.muli %add3A, %mul3A_1 : i32
    %mul3A_3 = arith.constant 64 : i32
    %mul3A_4 = arith.muli %arg1, %mul3A_3 : i32
    %min3A = arith.constant 936 : i32
    %min3A_5 = arith.minsi %mul3A_4, %min3A : i32
    %dma_start3A = tpu.memref_slice %arg3[%mul3A_2] : memref<16384xi32, #tpu.memory_space<hbm>> -> memref<512xi32, #tpu.memory_space<hbm>>
    %dma_start3A_6 = tpu.memref_slice %arg3[%mul3A_2] : memref<16384xi32, #tpu.memory_space<hbm>> -> memref<512xi32, #tpu.memory_space<hbm>>
    tpu.enqueue_dma source(%dma_start3A_6 : memref<512xi32, #tpu.memory_space<hbm>>) target(%arg6 : memref<512xi32, #tpu.memory_space<vmem>>) target_semaphore(%arg9 : memref<!tpu.dma_semaphore, #tpu.memory_space<semaphore_mem>>)
    %dma_start3A_7 = arith.constant 0 : i32
    %dma_start3A_8 = tpu.memref_slice %arg5[%min3A_5, %dma_start3A_7] : memref<1000x128xf32, #tpu.memory_space<vmem_shared>> -> memref<64x128xf32, #tpu.memory_space<vmem_shared>>
    %dma_start3A_9 = arith.constant 0 : i32
    %dma_start3A_10 = tpu.memref_slice %arg2[%min3A_5, %dma_start3A_9] : memref<1000x128xf32, #tpu.memory_space<hbm>> -> memref<64x128xf32, #tpu.memory_space<hbm>>
    tpu.enqueue_dma source(%dma_start3A_10 : memref<64x128xf32, #tpu.memory_space<hbm>>) target(%dma_start3A_8 : memref<64x128xf32, #tpu.memory_space<vmem_shared>>) target_semaphore(%arg14 : memref<!tpu.dma_semaphore, #tpu.memory_space<semaphore_mem>>)
    %dma_wait3A = tpu.memref_slice %arg3[%mul3A_2] : memref<16384xi32, #tpu.memory_space<hbm>> -> memref<512xi32, #tpu.memory_space<hbm>>
    %dma_wait3A_11 = tpu.memref_slice %arg3[%mul3A_2] : memref<16384xi32, #tpu.memory_space<hbm>> -> memref<512xi32, #tpu.memory_space<hbm>>
    tpu.wait_dma2 semaphore(%arg9 : memref<!tpu.dma_semaphore, #tpu.memory_space<semaphore_mem>>) src(%dma_wait3A_11 : memref<512xi32, #tpu.memory_space<hbm>>) dst(%arg6 : memref<512xi32, #tpu.memory_space<vmem>>)
    %dma_start3A_12 = arith.constant 0 : i32
    %dma_start3A_13 = arith.constant 0 : i32
    %dma_start3A_14 = arith.constant 0 : i32
    %dma_start3A_15 = tpu.memref_slice %arg7[%dma_start3A_12, %dma_start3A_13, %dma_start3A_14] : memref<4x128x128xf32, #tpu.memory_space<vmem>> -> memref<1x128x128xf32, #tpu.memory_space<vmem>>
    %dma_start3A_16 = tpu.memref_squeeze %dma_start3A_15 : memref<1x128x128xf32, #tpu.memory_space<vmem>> -> memref<128x128xf32, #tpu.memory_space<vmem>>
    %dma_start3A_17 = arith.constant 0 : i32
    %dma_start3A_18 = tpu.memref_slice %arg6[%dma_start3A_17] : memref<512xi32, #tpu.memory_space<vmem>> -> memref<128xi32, #tpu.memory_space<vmem>>
    %dma_start3A_19 = arith.constant 0 : i32
    %dma_start3A_20 = arith.constant 0 : i32
    %dma_start3A_21 = tpu.memref_slice %arg2[%dma_start3A_19, %dma_start3A_20] : memref<1000x128xf32, #tpu.memory_space<hbm>> -> memref<1000x128xf32, #tpu.memory_space<hbm>>
    tpu.enqueue_indirect_dma source(%dma_start3A_21 : memref<1000x128xf32, #tpu.memory_space<hbm>>) target(%dma_start3A_16 : memref<128x128xf32, #tpu.memory_space<vmem>>) offsets(%dma_start3A_18 : memref<128xi32, #tpu.memory_space<vmem>>) semaphore(%arg8 : memref<!tpu.dma_semaphore, #tpu.memory_space<semaphore_mem>>)
    %dma_wait3A_22 = arith.constant 0 : i32
    %dma_wait3A_23 = tpu.memref_slice %arg5[%min3A_5, %dma_wait3A_22] : memref<1000x128xf32, #tpu.memory_space<vmem_shared>> -> memref<64x128xf32, #tpu.memory_space<vmem_shared>>
    %dma_wait3A_24 = arith.constant 0 : i32
    %dma_wait3A_25 = tpu.memref_slice %arg2[%min3A_5, %dma_wait3A_24] : memref<1000x128xf32, #tpu.memory_space<hbm>> -> memref<64x128xf32, #tpu.memory_space<hbm>>
    tpu.wait_dma2 semaphore(%arg14 : memref<!tpu.dma_semaphore, #tpu.memory_space<semaphore_mem>>) src(%dma_wait3A_25 : memref<64x128xf32, #tpu.memory_space<hbm>>) dst(%dma_wait3A_23 : memref<64x128xf32, #tpu.memory_space<vmem_shared>>)
    %barrier3A = arith.constant 0 : index
    tpu.barrier barrier_id(%barrier3A)
    %dma_start3A_26 = arith.constant 1 : i32
    %dma_start3A_27 = arith.constant 0 : i32
    %dma_start3A_28 = arith.constant 0 : i32
    %dma_start3A_29 = tpu.memref_slice %arg7[%dma_start3A_26, %dma_start3A_27, %dma_start3A_28] : memref<4x128x128xf32, #tpu.memory_space<vmem>> -> memref<1x128x128xf32, #tpu.memory_space<vmem>>
    %dma_start3A_30 = tpu.memref_squeeze %dma_start3A_29 : memref<1x128x128xf32, #tpu.memory_space<vmem>> -> memref<128x128xf32, #tpu.memory_space<vmem>>
    %dma_start3A_31 = arith.constant 128 : i32
    %dma_start3A_32 = tpu.memref_slice %arg6[%dma_start3A_31] : memref<512xi32, #tpu.memory_space<vmem>> -> memref<128xi32, #tpu.memory_space<vmem>>
    %dma_start3A_33 = arith.constant 0 : i32
    %dma_start3A_34 = arith.constant 0 : i32
    %dma_start3A_35 = tpu.memref_slice %arg5[%dma_start3A_33, %dma_start3A_34] : memref<1000x128xf32, #tpu.memory_space<vmem_shared>> -> memref<1000x128xf32, #tpu.memory_space<vmem_shared>>
    tpu.enqueue_indirect_dma source(%dma_start3A_35 : memref<1000x128xf32, #tpu.memory_space<vmem_shared>>) target(%dma_start3A_30 : memref<128x128xf32, #tpu.memory_space<vmem>>) offsets(%dma_start3A_32 : memref<128xi32, #tpu.memory_space<vmem>>) semaphore(%arg9 : memref<!tpu.dma_semaphore, #tpu.memory_space<semaphore_mem>>)
    %dma_wait3A_36 = arith.constant 0 : i32
    %dma_wait3A_37 = arith.constant 0 : i32
    %dma_wait3A_38 = arith.constant 0 : i32
    %dma_wait3A_39 = tpu.memref_slice %arg7[%dma_wait3A_36, %dma_wait3A_37, %dma_wait3A_38] : memref<4x128x128xf32, #tpu.memory_space<vmem>> -> memref<1x128x128xf32, #tpu.memory_space<vmem>>
    %dma_wait3A_40 = tpu.memref_squeeze %dma_wait3A_39 : memref<1x128x128xf32, #tpu.memory_space<vmem>> -> memref<128x128xf32, #tpu.memory_space<vmem>>
    %dma_wait3A_41 = arith.constant 0 : i32
    %dma_wait3A_42 = tpu.memref_slice %arg6[%dma_wait3A_41] : memref<512xi32, #tpu.memory_space<vmem>> -> memref<128xi32, #tpu.memory_space<vmem>>
    %dma_wait3A_43 = arith.constant 0 : i32
    %dma_wait3A_44 = arith.constant 0 : i32
    %dma_wait3A_45 = tpu.memref_slice %arg2[%dma_wait3A_43, %dma_wait3A_44] : memref<1000x128xf32, #tpu.memory_space<hbm>> -> memref<1000x128xf32, #tpu.memory_space<hbm>>
    tpu.wait_indirect_dma semaphore(%arg8 : memref<!tpu.dma_semaphore, #tpu.memory_space<semaphore_mem>>) src(%dma_wait3A_45 : memref<1000x128xf32, #tpu.memory_space<hbm>>) dst(%dma_wait3A_40 : memref<128x128xf32, #tpu.memory_space<vmem>>)
    %add3A_46 = arith.constant 0 : i32
    %add3A_47 = arith.addi %mul3A_2, %add3A_46 : i32
    %dma_start3A_48 = arith.constant 0 : i32
    %dma_start3A_49 = arith.constant 0 : i32
    %dma_start3A_50 = arith.constant 0 : i32
    %dma_start3A_51 = tpu.memref_slice %arg7[%dma_start3A_48, %dma_start3A_49, %dma_start3A_50] : memref<4x128x128xf32, #tpu.memory_space<vmem>> -> memref<1x128x128xf32, #tpu.memory_space<vmem>>
    %dma_start3A_52 = tpu.memref_squeeze %dma_start3A_51 : memref<1x128x128xf32, #tpu.memory_space<vmem>> -> memref<128x128xf32, #tpu.memory_space<vmem>>
    %dma_start3A_53 = arith.constant 0 : i32
    %dma_start3A_54 = tpu.memref_slice %arg4[%add3A_47, %dma_start3A_53] : memref<16384x128xf32, #tpu.memory_space<hbm>> -> memref<128x128xf32, #tpu.memory_space<hbm>>
    %dma_start3A_55 = arith.constant 0 : i32
    %dma_start3A_56 = tpu.memref_slice %arg4[%add3A_47, %dma_start3A_55] : memref<16384x128xf32, #tpu.memory_space<hbm>> -> memref<128x128xf32, #tpu.memory_space<hbm>>
    %dma_start3A_57 = arith.constant 0 : i32
    %dma_start3A_58 = arith.constant 0 : i32
    %dma_start3A_59 = tpu.memref_slice %arg7[%dma_start3A_48, %dma_start3A_57, %dma_start3A_58] : memref<4x128x128xf32, #tpu.memory_space<vmem>> -> memref<1x128x128xf32, #tpu.memory_space<vmem>>
    %dma_start3A_60 = tpu.memref_squeeze %dma_start3A_59 : memref<1x128x128xf32, #tpu.memory_space<vmem>> -> memref<128x128xf32, #tpu.memory_space<vmem>>
    tpu.enqueue_dma source(%dma_start3A_60 : memref<128x128xf32, #tpu.memory_space<vmem>>) target(%dma_start3A_56 : memref<128x128xf32, #tpu.memory_space<hbm>>) target_semaphore(%arg10 : memref<!tpu.dma_semaphore, #tpu.memory_space<semaphore_mem>>)
    %dma_start3A_61 = arith.constant 2 : i32
    %dma_start3A_62 = arith.constant 0 : i32
    %dma_start3A_63 = arith.constant 0 : i32
    %dma_start3A_64 = tpu.memref_slice %arg7[%dma_start3A_61, %dma_start3A_62, %dma_start3A_63] : memref<4x128x128xf32, #tpu.memory_space<vmem>> -> memref<1x128x128xf32, #tpu.memory_space<vmem>>
    %dma_start3A_65 = tpu.memref_squeeze %dma_start3A_64 : memref<1x128x128xf32, #tpu.memory_space<vmem>> -> memref<128x128xf32, #tpu.memory_space<vmem>>
    %dma_start3A_66 = arith.constant 256 : i32
    %dma_start3A_67 = tpu.memref_slice %arg6[%dma_start3A_66] : memref<512xi32, #tpu.memory_space<vmem>> -> memref<128xi32, #tpu.memory_space<vmem>>
    %dma_start3A_68 = arith.constant 0 : i32
    %dma_start3A_69 = arith.constant 0 : i32
    %dma_start3A_70 = tpu.memref_slice %arg5[%dma_start3A_68, %dma_start3A_69] : memref<1000x128xf32, #tpu.memory_space<vmem_shared>> -> memref<1000x128xf32, #tpu.memory_space<vmem_shared>>
    tpu.enqueue_indirect_dma source(%dma_start3A_70 : memref<1000x128xf32, #tpu.memory_space<vmem_shared>>) target(%dma_start3A_65 : memref<128x128xf32, #tpu.memory_space<vmem>>) offsets(%dma_start3A_67 : memref<128xi32, #tpu.memory_space<vmem>>) semaphore(%arg8 : memref<!tpu.dma_semaphore, #tpu.memory_space<semaphore_mem>>)
    %dma_wait3A_71 = arith.constant 1 : i32
    %dma_wait3A_72 = arith.constant 0 : i32
    %dma_wait3A_73 = arith.constant 0 : i32
    %dma_wait3A_74 = tpu.memref_slice %arg7[%dma_wait3A_71, %dma_wait3A_72, %dma_wait3A_73] : memref<4x128x128xf32, #tpu.memory_space<vmem>> -> memref<1x128x128xf32, #tpu.memory_space<vmem>>
    %dma_wait3A_75 = tpu.memref_squeeze %dma_wait3A_74 : memref<1x128x128xf32, #tpu.memory_space<vmem>> -> memref<128x128xf32, #tpu.memory_space<vmem>>
    %dma_wait3A_76 = arith.constant 128 : i32
    %dma_wait3A_77 = tpu.memref_slice %arg6[%dma_wait3A_76] : memref<512xi32, #tpu.memory_space<vmem>> -> memref<128xi32, #tpu.memory_space<vmem>>
    %dma_wait3A_78 = arith.constant 0 : i32
    %dma_wait3A_79 = arith.constant 0 : i32
    %dma_wait3A_80 = tpu.memref_slice %arg5[%dma_wait3A_78, %dma_wait3A_79] : memref<1000x128xf32, #tpu.memory_space<vmem_shared>> -> memref<1000x128xf32, #tpu.memory_space<vmem_shared>>
    tpu.wait_indirect_dma semaphore(%arg9 : memref<!tpu.dma_semaphore, #tpu.memory_space<semaphore_mem>>) src(%dma_wait3A_80 : memref<1000x128xf32, #tpu.memory_space<vmem_shared>>) dst(%dma_wait3A_75 : memref<128x128xf32, #tpu.memory_space<vmem>>)
    %add3A_81 = arith.constant 128 : i32
    %add3A_82 = arith.addi %mul3A_2, %add3A_81 : i32
    %dma_start3A_83 = arith.constant 1 : i32
    %dma_start3A_84 = arith.constant 0 : i32
    %dma_start3A_85 = arith.constant 0 : i32
    %dma_start3A_86 = tpu.memref_slice %arg7[%dma_start3A_83, %dma_start3A_84, %dma_start3A_85] : memref<4x128x128xf32, #tpu.memory_space<vmem>> -> memref<1x128x128xf32, #tpu.memory_space<vmem>>
    %dma_start3A_87 = tpu.memref_squeeze %dma_start3A_86 : memref<1x128x128xf32, #tpu.memory_space<vmem>> -> memref<128x128xf32, #tpu.memory_space<vmem>>
    %dma_start3A_88 = arith.constant 0 : i32
    %dma_start3A_89 = tpu.memref_slice %arg4[%add3A_82, %dma_start3A_88] : memref<16384x128xf32, #tpu.memory_space<hbm>> -> memref<128x128xf32, #tpu.memory_space<hbm>>
    %dma_start3A_90 = arith.constant 0 : i32
    %dma_start3A_91 = tpu.memref_slice %arg4[%add3A_82, %dma_start3A_90] : memref<16384x128xf32, #tpu.memory_space<hbm>> -> memref<128x128xf32, #tpu.memory_space<hbm>>
    %dma_start3A_92 = arith.constant 0 : i32
    %dma_start3A_93 = arith.constant 0 : i32
    %dma_start3A_94 = tpu.memref_slice %arg7[%dma_start3A_83, %dma_start3A_92, %dma_start3A_93] : memref<4x128x128xf32, #tpu.memory_space<vmem>> -> memref<1x128x128xf32, #tpu.memory_space<vmem>>
    %dma_start3A_95 = tpu.memref_squeeze %dma_start3A_94 : memref<1x128x128xf32, #tpu.memory_space<vmem>> -> memref<128x128xf32, #tpu.memory_space<vmem>>
    tpu.enqueue_dma source(%dma_start3A_95 : memref<128x128xf32, #tpu.memory_space<vmem>>) target(%dma_start3A_91 : memref<128x128xf32, #tpu.memory_space<hbm>>) target_semaphore(%arg11 : memref<!tpu.dma_semaphore, #tpu.memory_space<semaphore_mem>>)
    %dma_start3A_96 = arith.constant 3 : i32
    %dma_start3A_97 = arith.constant 0 : i32
    %dma_start3A_98 = arith.constant 0 : i32
    %dma_start3A_99 = tpu.memref_slice %arg7[%dma_start3A_96, %dma_start3A_97, %dma_start3A_98] : memref<4x128x128xf32, #tpu.memory_space<vmem>> -> memref<1x128x128xf32, #tpu.memory_space<vmem>>
    %dma_start3A_100 = tpu.memref_squeeze %dma_start3A_99 : memref<1x128x128xf32, #tpu.memory_space<vmem>> -> memref<128x128xf32, #tpu.memory_space<vmem>>
    %dma_start3A_101 = arith.constant 384 : i32
    %dma_start3A_102 = tpu.memref_slice %arg6[%dma_start3A_101] : memref<512xi32, #tpu.memory_space<vmem>> -> memref<128xi32, #tpu.memory_space<vmem>>
    %dma_start3A_103 = arith.constant 0 : i32
    %dma_start3A_104 = arith.constant 0 : i32
    %dma_start3A_105 = tpu.memref_slice %arg5[%dma_start3A_103, %dma_start3A_104] : memref<1000x128xf32, #tpu.memory_space<vmem_shared>> -> memref<1000x128xf32, #tpu.memory_space<vmem_shared>>
    tpu.enqueue_indirect_dma source(%dma_start3A_105 : memref<1000x128xf32, #tpu.memory_space<vmem_shared>>) target(%dma_start3A_100 : memref<128x128xf32, #tpu.memory_space<vmem>>) offsets(%dma_start3A_102 : memref<128xi32, #tpu.memory_space<vmem>>) semaphore(%arg9 : memref<!tpu.dma_semaphore, #tpu.memory_space<semaphore_mem>>)
    %dma_wait3A_106 = arith.constant 2 : i32
    %dma_wait3A_107 = arith.constant 0 : i32
    %dma_wait3A_108 = arith.constant 0 : i32
    %dma_wait3A_109 = tpu.memref_slice %arg7[%dma_wait3A_106, %dma_wait3A_107, %dma_wait3A_108] : memref<4x128x128xf32, #tpu.memory_space<vmem>> -> memref<1x128x128xf32, #tpu.memory_space<vmem>>
    %dma_wait3A_110 = tpu.memref_squeeze %dma_wait3A_109 : memref<1x128x128xf32, #tpu.memory_space<vmem>> -> memref<128x128xf32, #tpu.memory_space<vmem>>
    %dma_wait3A_111 = arith.constant 256 : i32
    %dma_wait3A_112 = tpu.memref_slice %arg6[%dma_wait3A_111] : memref<512xi32, #tpu.memory_space<vmem>> -> memref<128xi32, #tpu.memory_space<vmem>>
    %dma_wait3A_113 = arith.constant 0 : i32
    %dma_wait3A_114 = arith.constant 0 : i32
    %dma_wait3A_115 = tpu.memref_slice %arg5[%dma_wait3A_113, %dma_wait3A_114] : memref<1000x128xf32, #tpu.memory_space<vmem_shared>> -> memref<1000x128xf32, #tpu.memory_space<vmem_shared>>
    tpu.wait_indirect_dma semaphore(%arg8 : memref<!tpu.dma_semaphore, #tpu.memory_space<semaphore_mem>>) src(%dma_wait3A_115 : memref<1000x128xf32, #tpu.memory_space<vmem_shared>>) dst(%dma_wait3A_110 : memref<128x128xf32, #tpu.memory_space<vmem>>)
    %add3A_116 = arith.constant 256 : i32
    %add3A_117 = arith.addi %mul3A_2, %add3A_116 : i32
    %dma_start3A_118 = arith.constant 2 : i32
    %dma_start3A_119 = arith.constant 0 : i32
    %dma_start3A_120 = arith.constant 0 : i32
    %dma_start3A_121 = tpu.memref_slice %arg7[%dma_start3A_118, %dma_start3A_119, %dma_start3A_120] : memref<4x128x128xf32, #tpu.memory_space<vmem>> -> memref<1x128x128xf32, #tpu.memory_space<vmem>>
    %dma_start3A_122 = tpu.memref_squeeze %dma_start3A_121 : memref<1x128x128xf32, #tpu.memory_space<vmem>> -> memref<128x128xf32, #tpu.memory_space<vmem>>
    %dma_start3A_123 = arith.constant 0 : i32
    %dma_start3A_124 = tpu.memref_slice %arg4[%add3A_117, %dma_start3A_123] : memref<16384x128xf32, #tpu.memory_space<hbm>> -> memref<128x128xf32, #tpu.memory_space<hbm>>
    %dma_start3A_125 = arith.constant 0 : i32
    %dma_start3A_126 = tpu.memref_slice %arg4[%add3A_117, %dma_start3A_125] : memref<16384x128xf32, #tpu.memory_space<hbm>> -> memref<128x128xf32, #tpu.memory_space<hbm>>
    %dma_start3A_127 = arith.constant 0 : i32
    %dma_start3A_128 = arith.constant 0 : i32
    %dma_start3A_129 = tpu.memref_slice %arg7[%dma_start3A_118, %dma_start3A_127, %dma_start3A_128] : memref<4x128x128xf32, #tpu.memory_space<vmem>> -> memref<1x128x128xf32, #tpu.memory_space<vmem>>
    %dma_start3A_130 = tpu.memref_squeeze %dma_start3A_129 : memref<1x128x128xf32, #tpu.memory_space<vmem>> -> memref<128x128xf32, #tpu.memory_space<vmem>>
    tpu.enqueue_dma source(%dma_start3A_130 : memref<128x128xf32, #tpu.memory_space<vmem>>) target(%dma_start3A_126 : memref<128x128xf32, #tpu.memory_space<hbm>>) target_semaphore(%arg12 : memref<!tpu.dma_semaphore, #tpu.memory_space<semaphore_mem>>)
    %dma_wait3A_131 = arith.constant 3 : i32
    %dma_wait3A_132 = arith.constant 0 : i32
    %dma_wait3A_133 = arith.constant 0 : i32
    %dma_wait3A_134 = tpu.memref_slice %arg7[%dma_wait3A_131, %dma_wait3A_132, %dma_wait3A_133] : memref<4x128x128xf32, #tpu.memory_space<vmem>> -> memref<1x128x128xf32, #tpu.memory_space<vmem>>
    %dma_wait3A_135 = tpu.memref_squeeze %dma_wait3A_134 : memref<1x128x128xf32, #tpu.memory_space<vmem>> -> memref<128x128xf32, #tpu.memory_space<vmem>>
    %dma_wait3A_136 = arith.constant 384 : i32
    %dma_wait3A_137 = tpu.memref_slice %arg6[%dma_wait3A_136] : memref<512xi32, #tpu.memory_space<vmem>> -> memref<128xi32, #tpu.memory_space<vmem>>
    %dma_wait3A_138 = arith.constant 0 : i32
    %dma_wait3A_139 = arith.constant 0 : i32
    %dma_wait3A_140 = tpu.memref_slice %arg5[%dma_wait3A_138, %dma_wait3A_139] : memref<1000x128xf32, #tpu.memory_space<vmem_shared>> -> memref<1000x128xf32, #tpu.memory_space<vmem_shared>>
    tpu.wait_indirect_dma semaphore(%arg9 : memref<!tpu.dma_semaphore, #tpu.memory_space<semaphore_mem>>) src(%dma_wait3A_140 : memref<1000x128xf32, #tpu.memory_space<vmem_shared>>) dst(%dma_wait3A_135 : memref<128x128xf32, #tpu.memory_space<vmem>>)
    %add3A_141 = arith.constant 384 : i32
    %add3A_142 = arith.addi %mul3A_2, %add3A_141 : i32
    %dma_start3A_143 = arith.constant 3 : i32
    %dma_start3A_144 = arith.constant 0 : i32
    %dma_start3A_145 = arith.constant 0 : i32
    %dma_start3A_146 = tpu.memref_slice %arg7[%dma_start3A_143, %dma_start3A_144, %dma_start3A_145] : memref<4x128x128xf32, #tpu.memory_space<vmem>> -> memref<1x128x128xf32, #tpu.memory_space<vmem>>
    %dma_start3A_147 = tpu.memref_squeeze %dma_start3A_146 : memref<1x128x128xf32, #tpu.memory_space<vmem>> -> memref<128x128xf32, #tpu.memory_space<vmem>>
    %dma_start3A_148 = arith.constant 0 : i32
    %dma_start3A_149 = tpu.memref_slice %arg4[%add3A_142, %dma_start3A_148] : memref<16384x128xf32, #tpu.memory_space<hbm>> -> memref<128x128xf32, #tpu.memory_space<hbm>>
    %dma_start3A_150 = arith.constant 0 : i32
    %dma_start3A_151 = tpu.memref_slice %arg4[%add3A_142, %dma_start3A_150] : memref<16384x128xf32, #tpu.memory_space<hbm>> -> memref<128x128xf32, #tpu.memory_space<hbm>>
    %dma_start3A_152 = arith.constant 0 : i32
    %dma_start3A_153 = arith.constant 0 : i32
    %dma_start3A_154 = tpu.memref_slice %arg7[%dma_start3A_143, %dma_start3A_152, %dma_start3A_153] : memref<4x128x128xf32, #tpu.memory_space<vmem>> -> memref<1x128x128xf32, #tpu.memory_space<vmem>>
    %dma_start3A_155 = tpu.memref_squeeze %dma_start3A_154 : memref<1x128x128xf32, #tpu.memory_space<vmem>> -> memref<128x128xf32, #tpu.memory_space<vmem>>
    tpu.enqueue_dma source(%dma_start3A_155 : memref<128x128xf32, #tpu.memory_space<vmem>>) target(%dma_start3A_151 : memref<128x128xf32, #tpu.memory_space<hbm>>) target_semaphore(%arg13 : memref<!tpu.dma_semaphore, #tpu.memory_space<semaphore_mem>>)
    %dma_wait3A_156 = arith.constant 0 : i32
    %dma_wait3A_157 = arith.constant 0 : i32
    %dma_wait3A_158 = arith.constant 0 : i32
    %dma_wait3A_159 = tpu.memref_slice %arg7[%dma_wait3A_156, %dma_wait3A_157, %dma_wait3A_158] : memref<4x128x128xf32, #tpu.memory_space<vmem>> -> memref<1x128x128xf32, #tpu.memory_space<vmem>>
    %dma_wait3A_160 = tpu.memref_squeeze %dma_wait3A_159 : memref<1x128x128xf32, #tpu.memory_space<vmem>> -> memref<128x128xf32, #tpu.memory_space<vmem>>
    %dma_wait3A_161 = arith.constant 0 : i32
    %dma_wait3A_162 = tpu.memref_slice %arg4[%add3A_47, %dma_wait3A_161] : memref<16384x128xf32, #tpu.memory_space<hbm>> -> memref<128x128xf32, #tpu.memory_space<hbm>>
    %dma_wait3A_163 = arith.constant 0 : i32
    %dma_wait3A_164 = tpu.memref_slice %arg4[%add3A_47, %dma_wait3A_163] : memref<16384x128xf32, #tpu.memory_space<hbm>> -> memref<128x128xf32, #tpu.memory_space<hbm>>
    %dma_wait3A_165 = arith.constant 0 : i32
    %dma_wait3A_166 = arith.constant 0 : i32
    %dma_wait3A_167 = tpu.memref_slice %arg7[%dma_wait3A_156, %dma_wait3A_165, %dma_wait3A_166] : memref<4x128x128xf32, #tpu.memory_space<vmem>> -> memref<1x128x128xf32, #tpu.memory_space<vmem>>
    %dma_wait3A_168 = tpu.memref_squeeze %dma_wait3A_167 : memref<1x128x128xf32, #tpu.memory_space<vmem>> -> memref<128x128xf32, #tpu.memory_space<vmem>>
    tpu.wait_dma2 semaphore(%arg10 : memref<!tpu.dma_semaphore, #tpu.memory_space<semaphore_mem>>) src(%dma_wait3A_168 : memref<128x128xf32, #tpu.memory_space<vmem>>) dst(%dma_wait3A_164 : memref<128x128xf32, #tpu.memory_space<hbm>>)
    %dma_wait3A_169 = arith.constant 1 : i32
    %dma_wait3A_170 = arith.constant 0 : i32
    %dma_wait3A_171 = arith.constant 0 : i32
    %dma_wait3A_172 = tpu.memref_slice %arg7[%dma_wait3A_169, %dma_wait3A_170, %dma_wait3A_171] : memref<4x128x128xf32, #tpu.memory_space<vmem>> -> memref<1x128x128xf32, #tpu.memory_space<vmem>>
    %dma_wait3A_173 = tpu.memref_squeeze %dma_wait3A_172 : memref<1x128x128xf32, #tpu.memory_space<vmem>> -> memref<128x128xf32, #tpu.memory_space<vmem>>
    %dma_wait3A_174 = arith.constant 0 : i32
    %dma_wait3A_175 = tpu.memref_slice %arg4[%add3A_82, %dma_wait3A_174] : memref<16384x128xf32, #tpu.memory_space<hbm>> -> memref<128x128xf32, #tpu.memory_space<hbm>>
    %dma_wait3A_176 = arith.constant 0 : i32
    %dma_wait3A_177 = tpu.memref_slice %arg4[%add3A_82, %dma_wait3A_176] : memref<16384x128xf32, #tpu.memory_space<hbm>> -> memref<128x128xf32, #tpu.memory_space<hbm>>
    %dma_wait3A_178 = arith.constant 0 : i32
    %dma_wait3A_179 = arith.constant 0 : i32
    %dma_wait3A_180 = tpu.memref_slice %arg7[%dma_wait3A_169, %dma_wait3A_178, %dma_wait3A_179] : memref<4x128x128xf32, #tpu.memory_space<vmem>> -> memref<1x128x128xf32, #tpu.memory_space<vmem>>
    %dma_wait3A_181 = tpu.memref_squeeze %dma_wait3A_180 : memref<1x128x128xf32, #tpu.memory_space<vmem>> -> memref<128x128xf32, #tpu.memory_space<vmem>>
    tpu.wait_dma2 semaphore(%arg11 : memref<!tpu.dma_semaphore, #tpu.memory_space<semaphore_mem>>) src(%dma_wait3A_181 : memref<128x128xf32, #tpu.memory_space<vmem>>) dst(%dma_wait3A_177 : memref<128x128xf32, #tpu.memory_space<hbm>>)
    %dma_wait3A_182 = arith.constant 2 : i32
    %dma_wait3A_183 = arith.constant 0 : i32
    %dma_wait3A_184 = arith.constant 0 : i32
    %dma_wait3A_185 = tpu.memref_slice %arg7[%dma_wait3A_182, %dma_wait3A_183, %dma_wait3A_184] : memref<4x128x128xf32, #tpu.memory_space<vmem>> -> memref<1x128x128xf32, #tpu.memory_space<vmem>>
    %dma_wait3A_186 = tpu.memref_squeeze %dma_wait3A_185 : memref<1x128x128xf32, #tpu.memory_space<vmem>> -> memref<128x128xf32, #tpu.memory_space<vmem>>
    %dma_wait3A_187 = arith.constant 0 : i32
    %dma_wait3A_188 = tpu.memref_slice %arg4[%add3A_117, %dma_wait3A_187] : memref<16384x128xf32, #tpu.memory_space<hbm>> -> memref<128x128xf32, #tpu.memory_space<hbm>>
    %dma_wait3A_189 = arith.constant 0 : i32
    %dma_wait3A_190 = tpu.memref_slice %arg4[%add3A_117, %dma_wait3A_189] : memref<16384x128xf32, #tpu.memory_space<hbm>> -> memref<128x128xf32, #tpu.memory_space<hbm>>
    %dma_wait3A_191 = arith.constant 0 : i32
    %dma_wait3A_192 = arith.constant 0 : i32
    %dma_wait3A_193 = tpu.memref_slice %arg7[%dma_wait3A_182, %dma_wait3A_191, %dma_wait3A_192] : memref<4x128x128xf32, #tpu.memory_space<vmem>> -> memref<1x128x128xf32, #tpu.memory_space<vmem>>
    %dma_wait3A_194 = tpu.memref_squeeze %dma_wait3A_193 : memref<1x128x128xf32, #tpu.memory_space<vmem>> -> memref<128x128xf32, #tpu.memory_space<vmem>>
    tpu.wait_dma2 semaphore(%arg12 : memref<!tpu.dma_semaphore, #tpu.memory_space<semaphore_mem>>) src(%dma_wait3A_194 : memref<128x128xf32, #tpu.memory_space<vmem>>) dst(%dma_wait3A_190 : memref<128x128xf32, #tpu.memory_space<hbm>>)
    %dma_wait3A_195 = arith.constant 3 : i32
    %dma_wait3A_196 = arith.constant 0 : i32
    %dma_wait3A_197 = arith.constant 0 : i32
    %dma_wait3A_198 = tpu.memref_slice %arg7[%dma_wait3A_195, %dma_wait3A_196, %dma_wait3A_197] : memref<4x128x128xf32, #tpu.memory_space<vmem>> -> memref<1x128x128xf32, #tpu.memory_space<vmem>>
    %dma_wait3A_199 = tpu.memref_squeeze %dma_wait3A_198 : memref<1x128x128xf32, #tpu.memory_space<vmem>> -> memref<128x128xf32, #tpu.memory_space<vmem>>
    %dma_wait3A_200 = arith.constant 0 : i32
    %dma_wait3A_201 = tpu.memref_slice %arg4[%add3A_142, %dma_wait3A_200] : memref<16384x128xf32, #tpu.memory_space<hbm>> -> memref<128x128xf32, #tpu.memory_space<hbm>>
    %dma_wait3A_202 = arith.constant 0 : i32
    %dma_wait3A_203 = tpu.memref_slice %arg4[%add3A_142, %dma_wait3A_202] : memref<16384x128xf32, #tpu.memory_space<hbm>> -> memref<128x128xf32, #tpu.memory_space<hbm>>
    %dma_wait3A_204 = arith.constant 0 : i32
    %dma_wait3A_205 = arith.constant 0 : i32
    %dma_wait3A_206 = tpu.memref_slice %arg7[%dma_wait3A_195, %dma_wait3A_204, %dma_wait3A_205] : memref<4x128x128xf32, #tpu.memory_space<vmem>> -> memref<1x128x128xf32, #tpu.memory_space<vmem>>
    %dma_wait3A_207 = tpu.memref_squeeze %dma_wait3A_206 : memref<1x128x128xf32, #tpu.memory_space<vmem>> -> memref<128x128xf32, #tpu.memory_space<vmem>>
    tpu.wait_dma2 semaphore(%arg13 : memref<!tpu.dma_semaphore, #tpu.memory_space<semaphore_mem>>) src(%dma_wait3A_207 : memref<128x128xf32, #tpu.memory_space<vmem>>) dst(%dma_wait3A_203 : memref<128x128xf32, #tpu.memory_space<hbm>>)
    return
  }
}

</mosaic_0001>

<sc_bundles>
// kernel: kernel.3.cloned.1.call-start
scs
__scs_entry_jumppad:
0x0: {  	(pc) =	sbr.rel $0x88, $3  }
0x1: {  	(tag) =	ssettag $0x0;
	lr =	simm.s32 $0x1  }
0x2: {  	[smem:$0x3F9F] =	sst lr;
	_ =	strace $0xD0000000  }
0x3: {  	_ = 	snop  }
0x4: {  	_ = 	snop  }
0x5: {  	_ = 	snop  }
0x6: {  	_ = 	snop  }
0x7: {  	_ = 	snop  }
__scs_overlays_trampoline_lowered:
0x8: {  	[smem:$0x3FAE] =	sst s0  }
0x9: {  	[smem:$0x3FAF] =	sst s1  }
0xa: {  	[smem:$0x3FB0] =	sst s2  }
0xb: {  	[smem:$0x3FB1] =	sst s3  }
0xc: {  	[smem:$0x3FB2] =	sst s4  }
0xd: {  	[smem:$0x3FB3] =	sst s5  }
0xe: {  	[smem:$0x3FB4] =	sst s6  }
0xf: {  	[smem:$0x3FB5] =	sst s7  }
0x10: {  	[smem:$0x3FB6] =	sst s8  }
0x11: {  	[smem:$0x3FB7] =	sst s9;
	s0 =	simm.s32 @!p0 $0x0  }
0x12: {  	s1 =	sld [smem:$0x3F9D];
	s0 =	simm.s32 @p0 $0x1  }
0x13: {  	[smem:$0x3FB8] =	sst s0;
	s0 =	simm.s32 @!p1 $0x0  }
0x14: {  	s2 =	sld [smem:$0x3F9C];
	s0 =	simm.s32 @p1 $0x1  }
0x15: {  	[smem:$0x3FB9] =	sst s0;
	s0 =	simm.s32 @!p2 $0x0  }
0x16: {  	s3 =	sld [smem:$0x3FDB];
	s0 =	simm.s32 @p2 $0x1  }
0x17: {  	s4 =	simm.s32 $0x1BF5;
	[smem:$0x3FBB] =	sst s0  }
0x18: {  	s0 =	sld [smem:$0x3F9E];
	_ =	swait.ge [sflag:s4], $0x0  }
0x19: {  	s7 =	sld [smem:$0x3F9F]  }
0x1a: {  	s8 =	sadd.s32 $0xFFFFE003, lr  }
0x1b: {  	s9 =	sadd.s32 $0xFFFFFEF7, lr;
	s5 =	simm.s32 $0xFFFFFFFF;
	p2 =	slt.u32 s8, $0xFFFFF086  }
0x1c: {  	p1 =	slt.u32 s9, $0xF7A;
	s5 =	simm.s32 @!p2 $0x0  }
0x1d: {  	s5 =	simm.s32 @p1 $0x1;
	p0 =	seq.s32 s7, s2  }
0x1e: {  	s7 =	smul.u32 @!p0 $0xF7A, s2;
	p2 =	seq.s32 @!p0 s5, $0x0  }
0x1f: {  	s9 =	smul.u32 $0xF7A, s1;
	s8 =	simm.s32 @!p0 $0x1BF5;
	p2 =	por !p2, p0  }
0x20: {  	[sflag:s8] =	ssyncset.s32 @!p0 $0xFFFFF086;
	s6 =	sadd.s32 @!p0 s3, s7;
	s7 =	simm.s32 @!p0 $0x108  }
0x21: {  	s3 =	sadd.s32 s3, s9;
	s6 =	sadd.s32 @!p0 $0x88, s6;
	s7 =	simm.s32 @p2 $0x1082  }
0x22: {  	[simem:s7], [sflag:s8] =	dma.local @!p0 [hbm:s6], $0xF7A  }
0x23: {  	s9 =	sor.u32 $0xD0000000, s2;
	s6 =	simm.s32 $0x108;
	_ =	swait.ge @!p0 [sflag:s8], $0x0  }
0x24: {  	s3 =	sadd.s32 $0x88, s3;
	s6 =	simm.s32 @!p1 $0x1082;
	[sflag:s4] =	ssyncset.s32 $0xFFFFF086  }
0x25: {  	[simem:s6], [sflag:s4] =	dma.local [hbm:s3], $0xF7A  }
0x26: {  	[smem:$0x3F9F] =	sst s1;
	(tag) =	ssettag s2;
	_ =	strace s9  }
0x27: {  	s1 =	sld [smem:$0x3FAF]  }
0x28: {  	s2 =	sld [smem:$0x3FB0]  }
0x29: {  	s4 =	sld [smem:$0x3FB2]  }
0x2a: {  	p0 =	seq.s32 s5, $0x0;
	s5 =	sld [smem:$0x3FB3]  }
0x2b: {  	s6 =	sld [smem:$0x3FB4]  }
0x2c: {  	s7 =	sld [smem:$0x3FB5]  }
0x2d: {  	s3 =	simm.s32 $0x108;
	s8 =	sld [smem:$0x3FB6]  }
0x2e: {  	s3 =	simm.s32 @!p0 $0x1082;
	s9 =	sld [smem:$0x3FB7]  }
0x2f: {  	lr =	sadd.s32 s0, s3;
	s0 =	sld [smem:$0x3FAE]  }
0x30: {  	s3 =	sld [smem:$0x3FB1]  }
0x31: {  	[smem:$0x3FBA] =	sst s10  }
0x32: {  	s10 =	sld [smem:$0x3FB8];
	_ =	sdelay $0x3  }
0x33: {  	p0 =	seq.s32 s10, $0x1;
	s10 =	sld [smem:$0x3FBA];
	_ =	sdelay $0x3  }
0x34: {  	[smem:$0x3FBA] =	sst s10  }
0x35: {  	s10 =	sld [smem:$0x3FB9];
	_ =	sdelay $0x3  }
0x36: {  	p1 =	seq.s32 s10, $0x1;
	s10 =	sld [smem:$0x3FBA];
	_ =	sdelay $0x3  }
0x37: {  	[smem:$0x3FBA] =	sst s10  }
0x38: {  	s10 =	sld [smem:$0x3FBB]  }
0x39: {  	_ = 	snop;
	(pc) =	sbr.ind lr, $3  }
0x3a: {  	_ = 	snop  }
0x3b: {  	_ = 	snop  }
0x3c: {  	p2 =	seq.s32 s10, $0x1;
	s10 =	sld [smem:$0x3FBA]  }
0x3d: {  	_ =	shalt  }
0x3e: {  	_ =	shalt  }
0x3f: {  	_ =	shalt  }
0x40: {  	_ =	shalt  }
0x41: {  	_ =	shalt  }
0x42: {  	_ =	shalt  }
0x43: {  	_ =	shalt  }
0x44: {  	_ =	shalt  }
0x45: {  	_ =	shalt  }
0x46: {  	_ =	shalt  }
0x47: {  	_ =	shalt  }
0x48: {  	_ =	shalt  }
0x49: {  	_ =	shalt  }
0x4a: {  	_ =	shalt  }
0x4b: {  	_ =	shalt  }
0x4c: {  	_ =	shalt  }
0x4d: {  	_ =	shalt  }
0x4e: {  	_ =	shalt  }
0x4f: {  	_ =	shalt  }
0x50: {  	_ =	shalt  }
0x51: {  	_ =	shalt  }
0x52: {  	_ =	shalt  }
0x53: {  	_ =	shalt  }
0x54: {  	_ =	shalt  }
0x55: {  	_ =	shalt  }
0x56: {  	_ =	shalt  }
0x57: {  	_ =	shalt  }
0x58: {  	_ =	shalt  }
0x59: {  	_ =	shalt  }
0x5a: {  	_ =	shalt  }
0x5b: {  	_ =	shalt  }
0x5c: {  	_ =	shalt  }
0x5d: {  	_ =	shalt  }
0x5e: {  	_ =	shalt  }
0x5f: {  	_ =	shalt  }
0x60: {  	_ =	shalt  }
0x61: {  	_ =	shalt  }
0x62: {  	_ =	shalt  }
0x63: {  	_ =	shalt  }
0x64: {  	_ =	shalt  }
0x65: {  	_ =	shalt  }
0x66: {  	_ =	shalt  }
0x67: {  	_ =	shalt  }
0x68: {  	_ =	shalt  }
0x69: {  	_ =	shalt  }
0x6a: {  	_ =	shalt  }
0x6b: {  	_ =	shalt  }
0x6c: {  	_ =	shalt  }
0x6d: {  	_ =	shalt  }
0x6e: {  	_ =	shalt  }
0x6f: {  	_ =	shalt  }
0x70: {  	_ =	shalt  }
0x71: {  	_ =	shalt  }
0x72: {  	_ =	shalt  }
0x73: {  	_ =	shalt  }
0x74: {  	_ =	shalt  }
0x75: {  	_ =	shalt  }
0x76: {  	_ =	shalt  }
0x77: {  	_ =	shalt  }
0x78: {  	_ =	shalt  }
0x79: {  	_ =	shalt  }
0x7a: {  	_ =	shalt  }
0x7b: {  	_ =	shalt  }
0x7c: {  	_ =	shalt  }
0x7d: {  	_ =	shalt  }
0x7e: {  	_ =	shalt  }
0x7f: {  	_ =	shalt  }
0x80: {  	_ =	shalt  }
0x81: {  	_ =	shalt  }
0x82: {  	_ =	shalt  }
0x83: {  	_ =	shalt  }
0x84: {  	_ =	shalt  }
0x85: {  	_ =	shalt  }
0x86: {  	_ =	shalt  }
0x87: {  	_ =	shalt  }
.Lfunc_end0:
.L_simem_size_0:
called_computation_lowered:
.L_overlay_start_0:
0x88: {  	s2 =	sld [smem:$0x3FD9]  }
0x89: {  	s3 =	sld [smem:$0x3FFE];
	_ =	sdelay $0x1  }
0x8a: {  	s1 =	srdreg.scid  }
0x8b: {  	s0 =	sand.u32 $0x1, s1  }
0x8c: {  	s18 =	sshll.u32 s0, $0xA;
	s2 =	sadd.s32 s3, s2  }
0x8d: {  	s2 =	sadd.s32 s2, s18  }
0x8e: {  	[smem:$0x3FC6] =	sst s2  }
0x8f: {  	_ = 	snop  }
0x90: {  	s2 =	sld [smem:$0x3FC9]  }
0x91: {  	s19 =	sld [smem:$0x3FC8]  }
0x92: {  	s4 =	sld [smem:$0x3FD0];
	(tm) =	ssettm $0x1  }
0x93: {  	s5 =	sld [smem:$0x3FFB];
	_ =	sdelay $0x3  }
0x94: {  	_ =	strace s5  }
0x95: {  	s5 =	sld [smem:$0x3FFC];
	_ =	sdelay $0x3  }
0x96: {  	_ =	strace s5  }
0x97: {  	s5 =	sld [smem:$0x3FFD];
	_ =	sdelay $0x3  }
0x98: {  	_ =	strace s5  }
0x99: {  	_ =	strace $0x8FFFFFFF  }
0x9a: {  	s20 =	sld [smem:$0x3FDB];
	_ =	sdelay $0x1  }
0x9b: {  	s6 =	simm.s32 $_scs_section_size  }
0x9c: {  	s7 =	simm.s32 $_size__tile_overlayer_lowered;
	s8 =	simm.s32 $_tile_overlayer_lowered  }
0x9d: {  	s23 =	simm.s32 $0x1BFF;
	s22 =	sshll.u32 s8, $0x1;
	s5 =	sadd.s32 s6, s20  }
0x9e: {  	s9 =	simm.s32 $0x0;
	s21 =	sshll.u32 s7, $0x1;
	s7 =	sadd.s32 s22, s5  }
0x9f: {  	[timem:s9], [sflag:s23] =	dma.local [hbm:s7], s21  }
0xa0: {  	_ =	swait.ge [sflag:s23], s21  }
0xa1: {  	s6 =	ssub.s32 $0x0, s21;
	[sflag:s23] =	ssyncset.done $0x0  }
0xa2: {  	[sflag:s23] =	ssyncadd.s32 s6;
	_ =	sdelay $0x1  }
0xa3: {  	s24 =	simm.s32 $0x1B8B  }
0xa4: {  	_ =	swait.ge [sflag:s24], $0x1  }
0xa5: {  	[sflag:s24] =	ssyncset.done $0x0  }
0xa6: {  	s25 =	simm.s32 $0x1B8E;
	[sflag:s24] =	ssyncadd.s32 $0xFFFFFFFF  }
0xa7: {  	s26 =	simm.s32 $execute0_lowered;
	[smem:$0x3FD2] =	sst s25  }
0xa8: {  	s6 =	sshll.u32 s26, $0x1;
	_ =	strace $0x80000046;
	[dreg:$0x1] =	wrdreg $0xFFFFFFFF  }
0xa9: {  	s28 =	simm.s32 $_size_execute0_lowered;
	s5 =	sadd.s32 s5, s6;
	[dreg:$0x0] =	wrdreg $0x0  }
0xaa: {  	s6 =	sshll.u32 s28, $0x1;
	[dreg:$0x2] =	wrdreg s5  }
0xab: {  	[dreg:$0x3] =	wrdreg s6  }
0xac: {  	[dreg:$0x4] =	wrdreg $0xC0  }
0xad: {  	_ =	task [dreg:s9], $0x5FFFF  }
0xae: {  	[dreg:$0x1] =	wrdreg $0xFFFFFFFF  }
0xaf: {  	[dreg:$0x0] =	wrdreg $0x60  }
0xb0: {  	[dreg:$0x2] =	wrdreg s19  }
0xb1: {  	[dreg:$0x3] =	wrdreg s2  }
0xb2: {  	[dreg:$0x4] =	wrdreg s4  }
0xb3: {  	[dreg:$0x5] =	wrdreg $0x0  }
0xb4: {  	[dreg:$0x6] =	wrdreg $0x9  }
0xb5: {  	_ =	task.clear_ibuf [dreg:s9], $0x7FFFF;
	_ =	strace $0x90000046  }
0xb6: {  	s29 =	simm.s32 $0x9;
	_ =	strace $0x80000048  }
0xb7: {  	_ =	swait.ge [sflag:s29], $0x1  }
0xb8: {  	[sflag:s29] =	ssyncadd.s32 $0xFFFFFFFF  }
0xb9: {  	_ =	strace $0x90000048  }
0xba: {  	_ =	sfence  }
0xbb: {  	s30 =	sld [smem:$0x0];
	_ =	sdelay $0x2  }
0xbc: {  	s31 =	sshll.u32 s1, $0xD;
	s1 =	sshrl.u32 s1, $0x2  }
0xbd: {  	s3 =	sand.u32 $0x4000, s31;
	s1 =	sadd.s32 s1, s30  }
0xbe: {  	s0 =	sor.u32 s3, s0;
	s1 =	sshll.u32 s1, $0x11  }
0xbf: {  	s0 =	sor.u32 s1, s0  }
0xc0: {  	s0 =	sadd.s32 $0x8F2B, s0  }
0xc1: {  	[sflag:s0] =	ssyncadd.remote.s32 $0x1  }
0xc2: {  	_ =	sfence.sel $0xFFFF  }
0xc3: {  	[dreg:$0x0] =	wrdreg $0xFFFFFFFF;
	(pc) =	sbr.abs _section_cstart, $3  }
0xc4: {  	[dreg:$0x1] =	wrdreg $0xFFFFFFFF  }
0xc5: {  	_ =	task.clear_ibuf [dreg:s9], $0x2FFFF;
	_ =	strace $0x9FFFFFFF  }
0xc6: {  	(tm) =	ssettm $0x7FFFFFFF  }
0xc7: {  	_ =	shalt  }
tec
execute0_lowered:
.L_overlay_start_1:
0x0: {  	(tag) =	ssettag $0x1  }
0x1: {  	s1 =	rddreg [dreg:$0x0]  }
0x2: {  	s5 =	rddreg [dreg:$0x1]  }
0x3: {  	s17 =	rddreg [dreg:$0x2]  }
0x4: {  	s3 =	rddreg [dreg:$0x3];
	s4 =	srdreg.scid  }
0x5: {  	s0 =	rddreg [dreg:$0x4];
	s2 =	stileid.u32;
	s10 =	simm.s32 $0x2  }
0x6: {  	s28 =	sand.u32 $0x1, s4;
	s4 =	simm.s32 $0x0;
	s6 =	sshll.u32 s2, $0xA  }
0x7: {  	s25 =	sshll.u32 s2, $0x6;
	s7 =	sshll.u32 s28, $0x9;
	[smem:$0x7FF] =	sst s4  }
0x8: {  	s26 =	smin.u32 s25, $0x3A8;
	s18 =	sor.u32 s7, s6;
	_ =	strace $0x80000047  }
0x9: {  	s31 =	sshll.u32 s26, $0x7;
	s6 =	sshll.u32 s26, $0x4;
	s7 =	sor.u32 $0x1C07, s25  }
0xa: {  	s8 =	sshrl.u32 s18, $0x3;
	s9 =	sadd.s32 s31, s3;
	s6 =	sadd.s32 s1, s6  }
0xb: {  	s5 =	sadd.s32 s5, s8;
	s8 =	simm.s32 $0x1F40;
	s9 =	sshrl.u32 s9, $0x3  }
0xc: {  	[tilespmem:s8], [sflag:$0x2] =	stream.linear.gather [hbm4b:s5+s4], $0x200, $0x38;
	[tilespmem:$0x12140] =	vst v63  }
0xd: {  	[spmem:s9], [sflag:s7] =	dma.local [hbm:s6], $0x400  }
0xe: {  	_ =	swait.ge [sflag:s10], $0x200  }
0xf: {  	s11 =	simm.s32 $0x80;
	[sflag:s10] =	ssyncset.done $0x0  }
0x10: {  	s12 =	simm.s32 $0x2140;
	s13 =	simm.s32 $0x7;
	[sflag:s10] =	ssyncadd.s32 $0xFFFFFE00  }
0x11: {  	[tilespmem:s12], [sflag:$0x1] =	stream.indirect.gather [hbm4b:s1+s11], $0x80, s8, s11, $0xb8;
	[tilespmem:$0x12140] =	vst v63  }
0x12: {  	_ =	swait.ge [sflag:s13], $0x400  }
0x13: {  	[sflag:s13] =	ssyncset.done $0x0  }
0x14: {  	s14 =	simm.s32 $0x1FC0;
	[sflag:s13] =	ssyncadd.s32 $0xFFFFFC00  }
0x15: {  	s15 =	simm.s32 $0x6140;
	s16 =	simm.s32 $0x1;
	[bflag:$0x0] =	sbarrier.arrive $0xFFFF  }
0x16: {  	[tilespmem:s15], [sflag:$0x2] =	stream.indirect.gather [spmem:s3], $0x80, s14, s11, $0xb8;
	[tilespmem:$0x12140] =	vst v63  }
0x17: {  	_ =	swait.ge [sflag:s16], $0x4000  }
0x18: {  	s18 =	sshll.u32 s18, $0x4;
	[sflag:s16] =	ssyncset.done $0x0  }
0x19: {  	s17 =	sadd.s32 s17, s18;
	[sflag:s16] =	ssyncadd.s32 $0xFFFFC000  }
0x1a: {  	[hbm4b:s17+s4] =	stream.linear.scatter [tilespmem:s12], [sflag:$0x3], $0x4000, $0x38;
	[tilespmem:$0x12140] =	vst v63  }
0x1b: {  	s19 =	simm.s32 $0xA140;
	s18 =	simm.s32 $0x2040  }
0x1c: {  	[tilespmem:s19], [sflag:$0x1] =	stream.indirect.gather [spmem:s3], $0x80, s18, s11, $0xb8;
	[tilespmem:$0x12140] =	vst v63  }
0x1d: {  	_ =	swait.ge [sflag:s10], $0x4000  }
0x1e: {  	[sflag:s10] =	ssyncset.done $0x0  }
0x1f: {  	s20 =	sadd.s32 $0x800, s17;
	[sflag:s10] =	ssyncadd.s32 $0xFFFFC000  }
0x20: {  	[hbm4b:s20+s4] =	stream.linear.scatter [tilespmem:s15], [sflag:$0x4], $0x4000, $0x38;
	[tilespmem:$0x12140] =	vst v63  }
0x21: {  	s21 =	simm.s32 $0x20C0;
	s22 =	simm.s32 $0xE140  }
0x22: {  	[tilespmem:s22], [sflag:$0x2] =	stream.indirect.gather [spmem:s3], $0x80, s21, s11, $0xb8;
	[tilespmem:$0x12140] =	vst v63  }
0x23: {  	_ =	swait.ge [sflag:s16], $0x4000  }
0x24: {  	[sflag:s16] =	ssyncset.done $0x0  }
0x25: {  	s23 =	sadd.s32 $0x1000, s17;
	[sflag:s16] =	ssyncadd.s32 $0xFFFFC000  }
0x26: {  	[hbm4b:s23+s4] =	stream.linear.scatter [tilespmem:s19], [sflag:$0x5], $0x4000, $0x38;
	[tilespmem:$0x12140] =	vst v63  }
0x27: {  	_ =	swait.ge [sflag:s10], $0x4000  }
0x28: {  	[sflag:s10] =	ssyncset.done $0x0  }
0x29: {  	s25 =	simm.s32 $0x3;
	s24 =	sadd.s32 $0x1800, s17;
	[sflag:s10] =	ssyncadd.s32 $0xFFFFC000  }
0x2a: {  	[hbm4b:s24+s4] =	stream.linear.scatter [tilespmem:s22], [sflag:$0x6], $0x4000, $0x38;
	[tilespmem:$0x12140] =	vst v63  }
0x2b: {  	_ =	swait.ge [sflag:s25], $0x4000  }
0x2c: {  	s29 =	ssub.s32 $0x2, s28;
	[sflag:s25] =	ssyncset.done $0x0  }
0x2d: {  	s26 =	simm.s32 $0x4;
	s30 =	sshrl.u32 s29, $0x1;
	[sflag:s25] =	ssyncadd.s32 $0xFFFFC000  }
0x2e: {  	s29 =	ssub.s32 s29, s30;
	_ =	swait.ge [sflag:s26], $0x4000  }
0x2f: {  	s30 =	smax.u32 s29, $0x1;
	[sflag:s26] =	ssyncset.done $0x0  }
0x30: {  	s28 =	simm.s32 $0x5;
	p0 =	sne.s32 s30, $0x1;
	[sflag:s26] =	ssyncadd.s32 $0xFFFFC000  }
.Ltmp0:
0x31: {  	_ =	swait.ge [sflag:s28], $0x4000;
	(pc) =	sbr.rel @!p0 .LBB2_2-.Ltmp0, $4  }
0x32: {  	[sflag:s28] =	ssyncset.done $0x0  }
0x33: {  	s29 =	simm.s32 $0x6;
	[sflag:s28] =	ssyncadd.s32 $0xFFFFC000  }
0x34: {  	_ =	swait.ge [sflag:s29], $0x4000  }
0x35: {  	s30 =	sadd.s32 $0xFFFFFFFF, s30;
	[sflag:s29] =	ssyncset.done $0x0  }
.LBB2_1:
0x36: {  	p0 =	sne.s32 s30, $0x1;
	s30 =	sadd.s32 $0xFFFFFFFF, s30;
	[sflag:s29] =	ssyncadd.s32 $0xFFFFC000  }
0x37: {  	[tilespmem:s8], [sflag:$0x2] =	stream.linear.gather [hbm4b:s5+s4], $0x200, $0x38;
	[tilespmem:$0x12140] =	vst v63  }
0x38: {  	[spmem:s9], [sflag:s7] =	dma.local [hbm:s6], $0x400  }
0x39: {  	_ =	swait.ge [sflag:s10], $0x200  }
0x3a: {  	[sflag:s10] =	ssyncset.done $0x0  }
0x3b: {  	[sflag:s10] =	ssyncadd.s32 $0xFFFFFE00  }
0x3c: {  	[tilespmem:s12], [sflag:$0x1] =	stream.indirect.gather [hbm4b:s1+s11], $0x80, s8, s11, $0xb8;
	[tilespmem:$0x12140] =	vst v63  }
0x3d: {  	_ =	swait.ge [sflag:s13], $0x400  }
0x3e: {  	[sflag:s13] =	ssyncset.done $0x0  }
0x3f: {  	[sflag:s13] =	ssyncadd.s32 $0xFFFFFC00  }
0x40: {  	[bflag:$0x0] =	sbarrier.arrive $0xFFFF  }
0x41: {  	[tilespmem:s15], [sflag:$0x2] =	stream.indirect.gather [spmem:s3], $0x80, s14, s11, $0xb8;
	[tilespmem:$0x12140] =	vst v63  }
0x42: {  	_ =	swait.ge [sflag:s16], $0x4000  }
0x43: {  	[sflag:s16] =	ssyncset.done $0x0  }
0x44: {  	[sflag:s16] =	ssyncadd.s32 $0xFFFFC000  }
0x45: {  	[hbm4b:s17+s4] =	stream.linear.scatter [tilespmem:s12], [sflag:$0x3], $0x4000, $0x38;
	[tilespmem:$0x12140] =	vst v63  }
0x46: {  	_ = 	snop  }
0x47: {  	[tilespmem:s19], [sflag:$0x1] =	stream.indirect.gather [spmem:s3], $0x80, s18, s11, $0xb8;
	[tilespmem:$0x12140] =	vst v63  }
0x48: {  	_ =	swait.ge [sflag:s10], $0x4000  }
0x49: {  	[sflag:s10] =	ssyncset.done $0x0  }
0x4a: {  	[sflag:s10] =	ssyncadd.s32 $0xFFFFC000  }
0x4b: {  	[hbm4b:s20+s4] =	stream.linear.scatter [tilespmem:s15], [sflag:$0x4], $0x4000, $0x38;
	[tilespmem:$0x12140] =	vst v63  }
0x4c: {  	_ = 	snop  }
0x4d: {  	[tilespmem:s22], [sflag:$0x2] =	stream.indirect.gather [spmem:s3], $0x80, s21, s11, $0xb8;
	[tilespmem:$0x12140] =	vst v63  }
0x4e: {  	_ =	swait.ge [sflag:s16], $0x4000  }
0x4f: {  	[sflag:s16] =	ssyncset.done $0x0  }
0x50: {  	[sflag:s16] =	ssyncadd.s32 $0xFFFFC000  }
0x51: {  	[hbm4b:s23+s4] =	stream.linear.scatter [tilespmem:s19], [sflag:$0x5], $0x4000, $0x38;
	[tilespmem:$0x12140] =	vst v63  }
0x52: {  	_ =	swait.ge [sflag:s10], $0x4000  }
0x53: {  	[sflag:s10] =	ssyncset.done $0x0  }
0x54: {  	[sflag:s10] =	ssyncadd.s32 $0xFFFFC000  }
0x55: {  	[hbm4b:s24+s4] =	stream.linear.scatter [tilespmem:s22], [sflag:$0x6], $0x4000, $0x38;
	[tilespmem:$0x12140] =	vst v63  }
0x56: {  	_ =	swait.ge [sflag:s25], $0x4000  }
0x57: {  	[sflag:s25] =	ssyncset.done $0x0  }
0x58: {  	[sflag:s25] =	ssyncadd.s32 $0xFFFFC000  }
0x59: {  	_ =	swait.ge [sflag:s26], $0x4000  }
0x5a: {  	[sflag:s26] =	ssyncset.done $0x0  }
0x5b: {  	[sflag:s26] =	ssyncadd.s32 $0xFFFFC000  }
.Ltmp1:
0x5c: {  	_ =	swait.ge [sflag:s28], $0x4000;
	(pc) =	sbr.rel @p0 .LBB2_1-.Ltmp1, $4  }
0x5d: {  	[sflag:s28] =	ssyncset.done $0x0  }
0x5e: {  	[sflag:s28] =	ssyncadd.s32 $0xFFFFC000  }
0x5f: {  	_ =	swait.ge [sflag:s29], $0x4000  }
0x60: {  	[sflag:s29] =	ssyncset.done $0x0  }
.LBB2_2:
0x61: {  	[sflag:s29] =	ssyncadd.s32 $0xFFFFC000  }
0x62: {  	_ =	sfence.sel $0x180000  }
0x63: {  	[bflag:$0x0] =	sbarrier.arrive $0xFFFF  }
0x64: {  	p0 =	sne.s32 s2, $0x0;
	_ =	strace $0x90000047  }
0x65: {  	s0 =	sadd.s32 @!p0 $0x100000, s0;
	[bflag:$0x2] =	sbarrier.arrive $0xFFFF  }
0x66: {  	[sflag:s0] =	ssyncadd.tile.s32 @!p0 $0x1;
	_ =	shalt  }
.Lfunc_end2:
_tile_overlayer_lowered:
.L_overlay_start_2:
0x67: {  	(tag) =	ssettag $0x2  }
0x68: {  	s0 =	rddreg [dreg:$0x0];
	s2 =	stileid.u32  }
0x69: {  	s1 =	rddreg [dreg:$0x1];
	p0 =	sne.s32 s2, $0x0  }
0x6a: {  	s3 =	rddreg [dreg:$0x2];
	[bflag:$0x3] =	sbarrier.arrive $0xFFFF;
	s2 =	simm.s32 @!p0 $0x1C08  }
0x6b: {  	[timem:s3], [sflag:s2] =	dma.local @!p0 [hbm:s0], s1  }
0x6c: {  	s0 =	simm.s32 @!p0 $0x8  }
0x6d: {  	_ =	swait.ge @!p0 [sflag:s0], s1  }
0x6e: {  	s1 =	ssub.s32 @!p0 $0x0, s1;
	[sflag:s0] =	ssyncset.done @!p0 $0x0  }
0x6f: {  	[sflag:s0] =	ssyncadd.s32 @!p0 s1  }
0x70: {  	[bflag:$0x3] =	sbarrier.arrive $0xFFFF  }
0x71: {  	_ =	shalt  }

</sc_bundles>
